<compile_context>
chip_gen: v7x
topology: tpu7x:2x2x1
jax: 0.10.2.dev20260603
libtpu: 0.0.44.dev20260713+nightly
codegen_flags: <defaults>
</compile_context>

<pallas_src>
import functools

import jax
import jax.numpy as jnp
from jax import lax
from jax.experimental import pallas as pl
from jax.experimental.pallas import tpu as pltpu
from jax.experimental.pallas import tpu_sc as plsc

_NC = 2
_NS = 16
_NW = _NC * _NS
_LANES = 16
_CHUNK = 8192


@functools.lru_cache(maxsize=None)
def _make_gather(total: int, p: int):
    chunk = _CHUNK
    per_w = total // _NW
    rounds = per_w // chunk
    mesh = plsc.VectorSubcoreMesh(
        core_axis_name="c", subcore_axis_name="s",
        num_cores=_NC, num_subcores=_NS)

    @functools.partial(
        pl.kernel,
        mesh=mesh,
        out_type=jax.ShapeDtypeStruct((total,), jnp.float32),
        scratch_types=[
            pltpu.VMEM((p,), jnp.float32),
            pltpu.VMEM((2 * chunk,), jnp.int32),
            pltpu.VMEM((chunk,), jnp.float32),
        ],
        compiler_params=pltpu.CompilerParams(needs_layout_passes=False),
    )
    def gather_kernel(params_hbm, raw_hbm, out_hbm, table_v, raw_v, res_v):
        wid = (lax.axis_index("s") * _NC + lax.axis_index("c")).astype(jnp.int32)
        pltpu.sync_copy(params_hbm, table_v)
        lane = lax.iota(jnp.int32, _LANES)

        def round_body(r, _):
            base = wid * per_w + r * chunk
            pltpu.sync_copy(raw_hbm.at[pl.ds(base * 2, 2 * chunk)], raw_v)

            @plsc.parallel_loop(0, chunk, _LANES, unroll=8)
            def j_body(o):
                ids2 = (lane + o) * 2
                lo = plsc.load_gather(raw_v, [ids2])
                hi = plsc.load_gather(raw_v, [ids2 + 1])
                vidx = lo | hi
                res_v[pl.ds(o, _LANES)] = plsc.load_gather(table_v, [vidx])
            pltpu.sync_copy(res_v, out_hbm.at[pl.ds(base, chunk)])
            return 0

        lax.fori_loop(0, rounds, round_body, 0)

    return gather_kernel


def kernel(default, params, indices):
    n, m = default.shape
    total = n * m
    raw = lax.bitcast_convert_type(indices, jnp.int32).reshape(2 * total)
    with jax.enable_x64(False):
        out_flat = _make_gather(total, params.shape[0])(params, raw)
    return out_flat.reshape(n, m)

# --- scband reference (transcript-rebuilt; emitter-appended) ---
"""Pipeline reference for scband-matrix-54322746360263 (READ-ONLY COPY).

The authoritative reference and input builder live on the scoring server;
editing this copy changes nothing except your own understanding.
"""

import jax
jax.config.update('jax_enable_x64', True)
import jax.numpy as jnp
import numpy as np

N, M, P = 16384, 1024, 100000

def setup_inputs(seed: int = 0) -> dict:
    key = jax.random.key(seed)
    k1, k2, k3 = jax.random.split(key, 3)
    default = jax.random.normal(k1, (N, M), dtype=jnp.float32)
    params = jax.random.normal(k2, (P,), dtype=jnp.float32)
    indices = jax.random.randint(k3, (N, 1, M), 0, P, dtype=jnp.int64)
    return {'default': default, 'params': params, 'indices': indices}

def reference(default, params, indices):
    # torch: matrix = default.clone(); matrix[:, None] = p[self.indices]
    # mask is None, so `matrix[:, None]` is the unsqueezed view [N,1,M];
    # assigning p[indices] (shape [N,1,M]) overwrites the whole matrix.
    gathered = jnp.take(params, indices, axis=0)            # [N,1,M] gather (SparseCore-friendly)
    val = jnp.broadcast_to(gathered, (default.shape[0], 1, default.shape[1]))
    matrix = default.at[:, :].set(jnp.reshape(val, default.shape))  # scatter-overwrite of full view
    return matrix

if __name__ == "__main__":
    import jax
    _d = setup_inputs()
    print(jax.jit(kernel)(*tuple(_d.values())))

</pallas_src>

<mosaic_0001>
#map = affine_map<(d0, d1) -> (0)>
module attributes {stable_mosaic.version = 14 : i64} {
  func.func @gather_kernel(%arg0: i32, %arg1: i32, %arg2: memref<100000xf32, #tpu.memory_space<hbm>>, %arg3: memref<33554432xi32, #tpu.memory_space<hbm>>, %arg4: memref<16777216xf32, #tpu.memory_space<hbm>>, %arg5: memref<100000xf32, #tpu.memory_space<vmem>>, %arg6: memref<16384xi32, #tpu.memory_space<vmem>>, %arg7: memref<8192xf32, #tpu.memory_space<vmem>>) attributes {dimension_semantics = [#tpu.dimension_semantics<core_parallel>, #tpu.dimension_semantics<subcore_parallel>], iteration_bounds = array<i64: 2, 16>, scalar_prefetch = 0 : i64, scratch_operands = 3 : i64, tpu.core_type = #tpu.core_type<sc_vector_subcore>, window_params = [{transform_indices = #map}, {transform_indices = #map}, {transform_indices = #map}]} {
    %mul3A = arith.constant 2 : i32
    %mul3A_0 = arith.muli %arg1, %mul3A : i32
    %add3A = arith.addi %mul3A_0, %arg0 : i32
    "tpu.region"() ({
      %run_scoped3A = tpu.sem_alloc : memref<!tpu.dma_semaphore, #tpu.memory_space<semaphore_mem>>
      tpu.enqueue_dma source(%arg2 : memref<100000xf32, #tpu.memory_space<hbm>>) target(%arg5 : memref<100000xf32, #tpu.memory_space<vmem>>) target_semaphore(%run_scoped3A : memref<!tpu.dma_semaphore, #tpu.memory_space<semaphore_mem>>)
      tpu.wait_dma2 semaphore(%run_scoped3A : memref<!tpu.dma_semaphore, #tpu.memory_space<semaphore_mem>>) src(%arg2 : memref<100000xf32, #tpu.memory_space<hbm>>) dst(%arg5 : memref<100000xf32, #tpu.memory_space<vmem>>)
      tpu.yield
    }) : () -> ()
    %iota3A = tpu.iota {dimensions = array<i32: 0>} : vector<16xi32>
    %scan3A = arith.constant 0 : i32
    %scan3A_1 = arith.constant 0 : i32
    %scan3A_2 = arith.constant 64 : i32
    %scan3A_3 = arith.addi %scan3A_1, %scan3A_2 : i32
    %scan3A_4 = arith.constant 1 : i32
    %scan3A_5 = scf.for %scan3A_7 = %scan3A_1 to %scan3A_3 step %scan3A_4 iter_args(%scan3A_8 = %scan3A) -> (i32)  : i32 {
      %mul3A_9 = arith.constant 524288 : i32
      %mul3A_10 = arith.muli %add3A, %mul3A_9 : i32
      %mul3A_11 = arith.constant 8192 : i32
      %mul3A_12 = arith.muli %scan3A_7, %mul3A_11 : i32
      %add3A_13 = arith.addi %mul3A_10, %mul3A_12 : i32
      %mul3A_14 = arith.constant 2 : i32
      %mul3A_15 = arith.muli %add3A_13, %mul3A_14 : i32
      "tpu.region"() ({
        %run_scoped3A = tpu.sem_alloc : memref<!tpu.dma_semaphore, #tpu.memory_space<semaphore_mem>>
        %dma_start3A = tpu.memref_slice %arg3[%mul3A_15] : memref<33554432xi32, #tpu.memory_space<hbm>> -> memref<16384xi32, #tpu.memory_space<hbm>>
        %dma_start3A_19 = tpu.memref_slice %arg3[%mul3A_15] : memref<33554432xi32, #tpu.memory_space<hbm>> -> memref<16384xi32, #tpu.memory_space<hbm>>
        tpu.enqueue_dma source(%dma_start3A_19 : memref<16384xi32, #tpu.memory_space<hbm>>) target(%arg6 : memref<16384xi32, #tpu.memory_space<vmem>>) target_semaphore(%run_scoped3A : memref<!tpu.dma_semaphore, #tpu.memory_space<semaphore_mem>>)
        %dma_wait3A = tpu.memref_slice %arg3[%mul3A_15] : memref<33554432xi32, #tpu.memory_space<hbm>> -> memref<16384xi32, #tpu.memory_space<hbm>>
        %dma_wait3A_20 = tpu.memref_slice %arg3[%mul3A_15] : memref<33554432xi32, #tpu.memory_space<hbm>> -> memref<16384xi32, #tpu.memory_space<hbm>>
        tpu.wait_dma2 semaphore(%run_scoped3A : memref<!tpu.dma_semaphore, #tpu.memory_space<semaphore_mem>>) src(%dma_wait3A_20 : memref<16384xi32, #tpu.memory_space<hbm>>) dst(%arg6 : memref<16384xi32, #tpu.memory_space<vmem>>)
        tpu.yield
      }) : () -> ()
      %parallel_loop3A = arith.constant 0 : i32
      %parallel_loop3A_16 = arith.constant 8192 : i32
      %parallel_loop3A_17 = arith.constant 16 : i32
      scf.for %parallel_loop3A_19 = %parallel_loop3A to %parallel_loop3A_16 step %parallel_loop3A_17  : i32 {
        %parallel_loop3A_20 = vector.broadcast %parallel_loop3A_19 : i32 to vector<16xi32>
        %parallel_loop3A_21 = arith.addi %iota3A, %parallel_loop3A_20 : vector<16xi32>
        %parallel_loop3A_22 = arith.constant 2 : i32
        %parallel_loop3A_23 = vector.broadcast %parallel_loop3A_22 : i32 to vector<16xi32>
        %parallel_loop3A_24 = arith.muli %parallel_loop3A_21, %parallel_loop3A_23 : vector<16xi32>
        %parallel_loop3A_25 = tpu.vector_load_idx %arg6[%parallel_loop3A_24] : memref<16384xi32, #tpu.memory_space<vmem>>[vector<16xi32>], vector<16xi32>,
        %parallel_loop3A_26 = arith.constant 1 : i32
        %parallel_loop3A_27 = vector.broadcast %parallel_loop3A_26 : i32 to vector<16xi32>
        %parallel_loop3A_28 = arith.addi %parallel_loop3A_24, %parallel_loop3A_27 : vector<16xi32>
        %parallel_loop3A_29 = tpu.vector_load_idx %arg6[%parallel_loop3A_28] : memref<16384xi32, #tpu.memory_space<vmem>>[vector<16xi32>], vector<16xi32>,
        %parallel_loop3A_30 = arith.ori %parallel_loop3A_25, %parallel_loop3A_29 : vector<16xi32>
        %parallel_loop3A_31 = tpu.vector_load_idx %arg5[%parallel_loop3A_30] : memref<100000xf32, #tpu.memory_space<vmem>>[vector<16xi32>], vector<16xf32>,
        %parallel_loop3A_32 = arith.index_cast %parallel_loop3A_19 : i32 to index
        %parallel_loop3A_33 = tpu.vector_load %arg7[%parallel_loop3A_32] {strides = array<i32>} : memref<8192xf32, #tpu.memory_space<vmem>>, vector<16xf32>,
        tpu.vector_store %arg7[%parallel_loop3A_32], %parallel_loop3A_31 {strides = array<i32>} : memref<8192xf32, #tpu.memory_space<vmem>>, vector<16xf32>,
      } {sc.loop_unroll_factor = 8 : i64, sc.parallel_access}
      "tpu.region"() ({
        %run_scoped3A = tpu.sem_alloc : memref<!tpu.dma_semaphore, #tpu.memory_space<semaphore_mem>>
        %dma_start3A = tpu.memref_slice %arg4[%add3A_13] : memref<16777216xf32, #tpu.memory_space<hbm>> -> memref<8192xf32, #tpu.memory_space<hbm>>
        %dma_start3A_19 = tpu.memref_slice %arg4[%add3A_13] : memref<16777216xf32, #tpu.memory_space<hbm>> -> memref<8192xf32, #tpu.memory_space<hbm>>
        tpu.enqueue_dma source(%arg7 : memref<8192xf32, #tpu.memory_space<vmem>>) target(%dma_start3A_19 : memref<8192xf32, #tpu.memory_space<hbm>>) target_semaphore(%run_scoped3A : memref<!tpu.dma_semaphore, #tpu.memory_space<semaphore_mem>>)
        %dma_wait3A = tpu.memref_slice %arg4[%add3A_13] : memref<16777216xf32, #tpu.memory_space<hbm>> -> memref<8192xf32, #tpu.memory_space<hbm>>
        %dma_wait3A_20 = tpu.memref_slice %arg4[%add3A_13] : memref<16777216xf32, #tpu.memory_space<hbm>> -> memref<8192xf32, #tpu.memory_space<hbm>>
        tpu.wait_dma2 semaphore(%run_scoped3A : memref<!tpu.dma_semaphore, #tpu.memory_space<semaphore_mem>>) src(%arg7 : memref<8192xf32, #tpu.memory_space<vmem>>) dst(%dma_wait3A_20 : memref<8192xf32, #tpu.memory_space<hbm>>)
        tpu.yield
      }) : () -> ()
      %scan3A_18 = arith.constant 0 : i32
      scf.yield %scan3A_18 : i32
    }
    %scan3A_6 = arith.constant 64 : i32
    return
  }
}

</mosaic_0001>

<sc_bundles>
// kernel: kernel.3.cloned.1.call-start
scs
__scs_entry_jumppad:
0x0: {  	(pc) =	sbr.rel $0x88, $3  }
0x1: {  	(tag) =	ssettag $0x0;
	lr =	simm.s32 $0x1  }
0x2: {  	[smem:$0x3F9F] =	sst lr;
	_ =	strace $0xD0000000  }
0x3: {  	_ = 	snop  }
0x4: {  	_ = 	snop  }
0x5: {  	_ = 	snop  }
0x6: {  	_ = 	snop  }
0x7: {  	_ = 	snop  }
__scs_overlays_trampoline_lowered:
0x8: {  	[smem:$0x3FAE] =	sst s0  }
0x9: {  	[smem:$0x3FAF] =	sst s1  }
0xa: {  	[smem:$0x3FB0] =	sst s2  }
0xb: {  	[smem:$0x3FB1] =	sst s3  }
0xc: {  	[smem:$0x3FB2] =	sst s4  }
0xd: {  	[smem:$0x3FB3] =	sst s5  }
0xe: {  	[smem:$0x3FB4] =	sst s6  }
0xf: {  	[smem:$0x3FB5] =	sst s7  }
0x10: {  	[smem:$0x3FB6] =	sst s8  }
0x11: {  	[smem:$0x3FB7] =	sst s9;
	s0 =	simm.s32 @!p0 $0x0  }
0x12: {  	s1 =	sld [smem:$0x3F9D];
	s0 =	simm.s32 @p0 $0x1  }
0x13: {  	[smem:$0x3FB8] =	sst s0;
	s0 =	simm.s32 @!p1 $0x0  }
0x14: {  	s2 =	sld [smem:$0x3F9C];
	s0 =	simm.s32 @p1 $0x1  }
0x15: {  	[smem:$0x3FB9] =	sst s0;
	s0 =	simm.s32 @!p2 $0x0  }
0x16: {  	s3 =	sld [smem:$0x3FDB];
	s0 =	simm.s32 @p2 $0x1  }
0x17: {  	s4 =	simm.s32 $0x1BF5;
	[smem:$0x3FBB] =	sst s0  }
0x18: {  	s0 =	sld [smem:$0x3F9E];
	_ =	swait.ge [sflag:s4], $0x0  }
0x19: {  	s7 =	sld [smem:$0x3F9F]  }
0x1a: {  	s8 =	sadd.s32 $0xFFFFE003, lr  }
0x1b: {  	s9 =	sadd.s32 $0xFFFFFEF7, lr;
	s5 =	simm.s32 $0xFFFFFFFF;
	p2 =	slt.u32 s8, $0xFFFFF086  }
0x1c: {  	p1 =	slt.u32 s9, $0xF7A;
	s5 =	simm.s32 @!p2 $0x0  }
0x1d: {  	s5 =	simm.s32 @p1 $0x1;
	p0 =	seq.s32 s7, s2  }
0x1e: {  	s7 =	smul.u32 @!p0 $0xF7A, s2;
	p2 =	seq.s32 @!p0 s5, $0x0  }
0x1f: {  	s9 =	smul.u32 $0xF7A, s1;
	s8 =	simm.s32 @!p0 $0x1BF5;
	p2 =	por !p2, p0  }
0x20: {  	[sflag:s8] =	ssyncset.s32 @!p0 $0xFFFFF086;
	s6 =	sadd.s32 @!p0 s3, s7;
	s7 =	simm.s32 @!p0 $0x108  }
0x21: {  	s3 =	sadd.s32 s3, s9;
	s6 =	sadd.s32 @!p0 $0x88, s6;
	s7 =	simm.s32 @p2 $0x1082  }
0x22: {  	[simem:s7], [sflag:s8] =	dma.local @!p0 [hbm:s6], $0xF7A  }
0x23: {  	s9 =	sor.u32 $0xD0000000, s2;
	s6 =	simm.s32 $0x108;
	_ =	swait.ge @!p0 [sflag:s8], $0x0  }
0x24: {  	s3 =	sadd.s32 $0x88, s3;
	s6 =	simm.s32 @!p1 $0x1082;
	[sflag:s4] =	ssyncset.s32 $0xFFFFF086  }
0x25: {  	[simem:s6], [sflag:s4] =	dma.local [hbm:s3], $0xF7A  }
0x26: {  	[smem:$0x3F9F] =	sst s1;
	(tag) =	ssettag s2;
	_ =	strace s9  }
0x27: {  	s1 =	sld [smem:$0x3FAF]  }
0x28: {  	s2 =	sld [smem:$0x3FB0]  }
0x29: {  	s4 =	sld [smem:$0x3FB2]  }
0x2a: {  	p0 =	seq.s32 s5, $0x0;
	s5 =	sld [smem:$0x3FB3]  }
0x2b: {  	s6 =	sld [smem:$0x3FB4]  }
0x2c: {  	s7 =	sld [smem:$0x3FB5]  }
0x2d: {  	s3 =	simm.s32 $0x108;
	s8 =	sld [smem:$0x3FB6]  }
0x2e: {  	s3 =	simm.s32 @!p0 $0x1082;
	s9 =	sld [smem:$0x3FB7]  }
0x2f: {  	lr =	sadd.s32 s0, s3;
	s0 =	sld [smem:$0x3FAE]  }
0x30: {  	s3 =	sld [smem:$0x3FB1]  }
0x31: {  	[smem:$0x3FBA] =	sst s10  }
0x32: {  	s10 =	sld [smem:$0x3FB8];
	_ =	sdelay $0x3  }
0x33: {  	p0 =	seq.s32 s10, $0x1;
	s10 =	sld [smem:$0x3FBA];
	_ =	sdelay $0x3  }
0x34: {  	[smem:$0x3FBA] =	sst s10  }
0x35: {  	s10 =	sld [smem:$0x3FB9];
	_ =	sdelay $0x3  }
0x36: {  	p1 =	seq.s32 s10, $0x1;
	s10 =	sld [smem:$0x3FBA];
	_ =	sdelay $0x3  }
0x37: {  	[smem:$0x3FBA] =	sst s10  }
0x38: {  	s10 =	sld [smem:$0x3FBB]  }
0x39: {  	_ = 	snop;
	(pc) =	sbr.ind lr, $3  }
0x3a: {  	_ = 	snop  }
0x3b: {  	_ = 	snop  }
0x3c: {  	p2 =	seq.s32 s10, $0x1;
	s10 =	sld [smem:$0x3FBA]  }
0x3d: {  	_ =	shalt  }
0x3e: {  	_ =	shalt  }
0x3f: {  	_ =	shalt  }
0x40: {  	_ =	shalt  }
0x41: {  	_ =	shalt  }
0x42: {  	_ =	shalt  }
0x43: {  	_ =	shalt  }
0x44: {  	_ =	shalt  }
0x45: {  	_ =	shalt  }
0x46: {  	_ =	shalt  }
0x47: {  	_ =	shalt  }
0x48: {  	_ =	shalt  }
0x49: {  	_ =	shalt  }
0x4a: {  	_ =	shalt  }
0x4b: {  	_ =	shalt  }
0x4c: {  	_ =	shalt  }
0x4d: {  	_ =	shalt  }
0x4e: {  	_ =	shalt  }
0x4f: {  	_ =	shalt  }
0x50: {  	_ =	shalt  }
0x51: {  	_ =	shalt  }
0x52: {  	_ =	shalt  }
0x53: {  	_ =	shalt  }
0x54: {  	_ =	shalt  }
0x55: {  	_ =	shalt  }
0x56: {  	_ =	shalt  }
0x57: {  	_ =	shalt  }
0x58: {  	_ =	shalt  }
0x59: {  	_ =	shalt  }
0x5a: {  	_ =	shalt  }
0x5b: {  	_ =	shalt  }
0x5c: {  	_ =	shalt  }
0x5d: {  	_ =	shalt  }
0x5e: {  	_ =	shalt  }
0x5f: {  	_ =	shalt  }
0x60: {  	_ =	shalt  }
0x61: {  	_ =	shalt  }
0x62: {  	_ =	shalt  }
0x63: {  	_ =	shalt  }
0x64: {  	_ =	shalt  }
0x65: {  	_ =	shalt  }
0x66: {  	_ =	shalt  }
0x67: {  	_ =	shalt  }
0x68: {  	_ =	shalt  }
0x69: {  	_ =	shalt  }
0x6a: {  	_ =	shalt  }
0x6b: {  	_ =	shalt  }
0x6c: {  	_ =	shalt  }
0x6d: {  	_ =	shalt  }
0x6e: {  	_ =	shalt  }
0x6f: {  	_ =	shalt  }
0x70: {  	_ =	shalt  }
0x71: {  	_ =	shalt  }
0x72: {  	_ =	shalt  }
0x73: {  	_ =	shalt  }
0x74: {  	_ =	shalt  }
0x75: {  	_ =	shalt  }
0x76: {  	_ =	shalt  }
0x77: {  	_ =	shalt  }
0x78: {  	_ =	shalt  }
0x79: {  	_ =	shalt  }
0x7a: {  	_ =	shalt  }
0x7b: {  	_ =	shalt  }
0x7c: {  	_ =	shalt  }
0x7d: {  	_ =	shalt  }
0x7e: {  	_ =	shalt  }
0x7f: {  	_ =	shalt  }
0x80: {  	_ =	shalt  }
0x81: {  	_ =	shalt  }
0x82: {  	_ =	shalt  }
0x83: {  	_ =	shalt  }
0x84: {  	_ =	shalt  }
0x85: {  	_ =	shalt  }
0x86: {  	_ =	shalt  }
0x87: {  	_ =	shalt  }
.Lfunc_end0:
.L_simem_size_0:
called_computation.1_lowered:
.L_overlay_start_0:
0x88: {  	s2 =	sld [smem:$0x3FD9]  }
0x89: {  	s3 =	sld [smem:$0x3FFE];
	_ =	sdelay $0x1  }
0x8a: {  	s1 =	srdreg.scid  }
0x8b: {  	s0 =	sand.u32 $0x1, s1  }
0x8c: {  	s17 =	sshll.u32 s0, $0xA;
	s2 =	sadd.s32 s3, s2  }
0x8d: {  	s2 =	sadd.s32 s2, s17  }
0x8e: {  	[smem:$0x3FC6] =	sst s2  }
0x8f: {  	_ = 	snop  }
0x90: {  	s2 =	sld [smem:$0x3FC9];
	(tm) =	ssettm $0x1  }
0x91: {  	s18 =	sld [smem:$0x3FFB];
	_ =	sdelay $0x3  }
0x92: {  	_ =	strace s18  }
0x93: {  	s3 =	sld [smem:$0x3FFC];
	_ =	sdelay $0x3  }
0x94: {  	_ =	strace s3  }
0x95: {  	s3 =	sld [smem:$0x3FFD];
	_ =	sdelay $0x3  }
0x96: {  	_ =	strace s3  }
0x97: {  	_ =	strace $0x8FFFFFFF  }
0x98: {  	s19 =	sld [smem:$0x3FDB];
	_ =	sdelay $0x1  }
0x99: {  	s4 =	simm.s32 $_scs_section_size  }
0x9a: {  	s5 =	simm.s32 $_size__tile_overlayer_lowered;
	s6 =	simm.s32 $_tile_overlayer_lowered  }
0x9b: {  	s22 =	simm.s32 $0x1BFF;
	s21 =	sshll.u32 s6, $0x1;
	s3 =	sadd.s32 s4, s19  }
0x9c: {  	s7 =	simm.s32 $0x0;
	s20 =	sshll.u32 s5, $0x1;
	s5 =	sadd.s32 s21, s3  }
0x9d: {  	[timem:s7], [sflag:s22] =	dma.local [hbm:s5], s20  }
0x9e: {  	_ =	swait.ge [sflag:s22], s20  }
0x9f: {  	s4 =	ssub.s32 $0x0, s20;
	[sflag:s22] =	ssyncset.done $0x0  }
0xa0: {  	[sflag:s22] =	ssyncadd.s32 s4;
	_ =	sdelay $0x1  }
0xa1: {  	s23 =	simm.s32 $0x1B8B  }
0xa2: {  	_ =	swait.ge [sflag:s23], $0x1  }
0xa3: {  	[sflag:s23] =	ssyncset.done $0x0  }
0xa4: {  	s25 =	simm.s32 $0x1B8E;
	s24 =	sld [smem:$0x3FFE];
	[sflag:s23] =	ssyncadd.s32 $0xFFFFFFFF  }
0xa5: {  	s26 =	simm.s32 $execute0_lowered;
	[smem:$0x3FD2] =	sst s25  }
0xa6: {  	s5 =	sshll.u32 s26, $0x1;
	_ =	strace $0x80000049;
	[dreg:$0x1] =	wrdreg $0xFFFFFFFF  }
0xa7: {  	s28 =	simm.s32 $_size_execute0_lowered;
	s3 =	sadd.s32 s3, s5;
	[dreg:$0x0] =	wrdreg $0x0  }
0xa8: {  	s5 =	sshll.u32 s28, $0x1;
	[dreg:$0x2] =	wrdreg s3  }
0xa9: {  	[dreg:$0x3] =	wrdreg s5  }
0xaa: {  	[dreg:$0x4] =	wrdreg $0xC0  }
0xab: {  	_ =	task [dreg:s7], $0x5FFFF  }
0xac: {  	[dreg:$0x1] =	wrdreg $0xFFFFFFFF  }
0xad: {  	[dreg:$0x0] =	wrdreg $0x60  }
0xae: {  	[dreg:$0x2] =	wrdreg s2  }
0xaf: {  	[dreg:$0x3] =	wrdreg s24  }
0xb0: {  	[dreg:$0x4] =	wrdreg $0x9  }
0xb1: {  	_ =	task.clear_ibuf [dreg:s7], $0x5FFFF;
	_ =	strace $0x90000049  }
0xb2: {  	s29 =	simm.s32 $0x9;
	_ =	strace $0x8000004B  }
0xb3: {  	_ =	swait.ge [sflag:s29], $0x1  }
0xb4: {  	[sflag:s29] =	ssyncadd.s32 $0xFFFFFFFF  }
0xb5: {  	_ =	strace $0x9000004B  }
0xb6: {  	_ =	sfence  }
0xb7: {  	s30 =	sld [smem:$0x0];
	_ =	sdelay $0x2  }
0xb8: {  	s31 =	sshll.u32 s1, $0xD;
	s1 =	sshrl.u32 s1, $0x2  }
0xb9: {  	s3 =	sand.u32 $0x4000, s31;
	s1 =	sadd.s32 s1, s30  }
0xba: {  	s0 =	sor.u32 s3, s0;
	s1 =	sshll.u32 s1, $0x11  }
0xbb: {  	s0 =	sor.u32 s1, s0  }
0xbc: {  	s0 =	sadd.s32 $0x8F2B, s0  }
0xbd: {  	[sflag:s0] =	ssyncadd.remote.s32 $0x1  }
0xbe: {  	_ =	sfence.sel $0xFFFF  }
0xbf: {  	[dreg:$0x0] =	wrdreg $0xFFFFFFFF;
	(pc) =	sbr.abs _section_cstart, $3  }
0xc0: {  	[dreg:$0x1] =	wrdreg $0xFFFFFFFF  }
0xc1: {  	_ =	task.clear_ibuf [dreg:s7], $0x2FFFF;
	_ =	strace $0x9FFFFFFF  }
0xc2: {  	(tm) =	ssettm $0x7FFFFFFF  }
0xc3: {  	_ =	shalt  }
tec
execute0_lowered:
.L_overlay_start_1:
0x0: {  	(tag) =	ssettag $0x1  }
0x1: {  	s1 =	rddreg [dreg:$0x0]  }
0x2: {  	s3 =	rddreg [dreg:$0x1]  }
0x3: {  	s0 =	rddreg [dreg:$0x2];
	s2 =	simm.s32 $0x0  }
0x4: {  	s4 =	srdreg.scid;
	s9 =	simm.s32 $0x18700;
	s10 =	simm.s32 $0x1C700  }
0x5: {  	s11 =	simm.s32 $0x0;
	[smem:$0x7FF] =	sst s2;
	s6 =	sand.u32 $0x1, s4  }
0x6: {  	s4 =	sadd.s32 $0xA00, s3;
	s5 =	sadd.s32 $0x400A00, s3;
	s7 =	ssub.s32 $0x2, s6  }
0x7: {  	v0 =	vlaneseq.u32;
	s3 =	stileid.u32;
	_ =	strace $0x8000004A;
	s8 =	sshrl.u32 s7, $0x1  }
0x8: {  	v0 =	vmul.u32 $0x2, v0;
	s31 =	sshll.u32 s3, $0x14;
	s6 =	sshll.u32 s6, $0x13;
	s7 =	ssub.s32 s7, s8  }
0x9: {  	s6 =	sor.u32 s6, s31;
	s8 =	simm.s32 $0x1;
	s7 =	smax.u32 s7, $0x1  }
.LBB2_1:
0xa: {  	[tilespmem:s2], [sflag:$0x1] =	stream.linear.gather [hbm4b:s1+s2], $0x18700, $0x38;
	[tilespmem:$0x1E700] =	vst v63  }
0xb: {  	_ =	swait.ge [sflag:s8], $0x18700  }
0xc: {  	[sflag:s8] =	ssyncset.done $0x0  }
0xd: {  	s12 =	simm.s32 $0x0;
	[sflag:s8] =	ssyncadd.s32 $0xFFFE7900  }
.LBB2_2:
0xe: {  	s13 =	sshll.u32 s12, $0xD;
	s15 =	simm.s32 $0x0  }
0xf: {  	s25 =	simm.s32 $0x10;
	s13 =	sadd.s32 s6, s13;
	v1 =	vmov s15  }
0x10: {  	s26 =	simm.s32 $0x20;
	v2 =	vmov s25;
	s14 =	sshrl.u32 s13, $0x2;
	v1 =	vshll.u32 v1, $0x1  }
0x11: {  	s28 =	simm.s32 $0x30;
	s29 =	simm.s32 $0x40;
	v3 =	vmov s26;
	v2 =	vshll.u32 v2, $0x1;
	s14 =	sadd.s32 s4, s14;
	v1 =	vor.u32 v0, v1  }
0x12: {  	v4 =	vmov s28;
	v3 =	vshll.u32 v3, $0x1;
	v2 =	vor.u32 v0, v2;
	[tilespmem:s9], [sflag:$0x1] =	stream.linear.gather [hbm4b:s14+s15], $0x4000, $0x38;
	[tilespmem:$0x1E700] =	vst v63  }
0x13: {  	s30 =	simm.s32 $0x50;
	v5 =	vmov s29;
	v4 =	vshll.u32 v4, $0x1;
	v3 =	vor.u32 v0, v3;
	_ =	swait.ge [sflag:s8], $0x4000  }
0x14: {  	s31 =	simm.s32 $0x60;
	v6 =	vmov s30;
	v5 =	vshll.u32 v5, $0x1;
	v4 =	vor.u32 v0, v4;
	[sflag:s8] =	ssyncset.done $0x0  }
0x15: {  	v7 =	vmov s31;
	v6 =	vshll.u32 v6, $0x1;
	v5 =	vor.u32 v0, v5;
	s15 =	simm.s32 $0x70;
	[sflag:s8] =	ssyncadd.s32 $0xFFFFC000  }
0x16: {  	v7 =	vshll.u32 v7, $0x1;
	v6 =	vor.u32 v0, v6;
	v9 =	vmov s15;
	v8 =	vld.idx.msk [tilespmem:v1+s9+$0x0], $0xffff  }
0x17: {  	v7 =	vor.u32 v0, v7;
	v9 =	vshll.u32 v9, $0x1;
	v10 =	vld.idx.msk [tilespmem:v2+s9+$0x0], $0xffff  }
0x18: {  	v9 =	vor.u32 v0, v9;
	v11 =	vld.idx.msk [tilespmem:v3+s9+$0x0], $0xffff  }
0x19: {  	v12 =	vld.idx.msk [tilespmem:v4+s9+$0x0], $0xffff;
	v13 =	vor.u32 $0x1, v9  }
0x1a: {  	v2 =	vor.u32 $0x1, v2;
	v14 =	vld.idx.msk [tilespmem:v5+s9+$0x0], $0xffff  }
0x1b: {  	v3 =	vor.u32 $0x1, v3;
	v15 =	vld.idx.msk [tilespmem:v6+s9+$0x0], $0xffff  }
0x1c: {  	v4 =	vor.u32 $0x1, v4;
	v16 =	vld.idx.msk [tilespmem:v7+s9+$0x0], $0xffff  }
0x1d: {  	v5 =	vor.u32 $0x1, v5;
	v9 =	vld.idx.msk [tilespmem:v9+s9+$0x0], $0xffff  }
0x1e: {  	s16 =	simm.s32 $0x80;
	v6 =	vor.u32 $0x1, v6;
	v13 =	vld.idx.msk [tilespmem:v13+s9+$0x0], $0xffff  }
0x1f: {  	s17 =	simm.s32 $0x90;
	v17 =	vmov s16;
	v7 =	vor.u32 $0x1, v7;
	v2 =	vld.idx.msk [tilespmem:v2+s9+$0x0], $0xffff  }
0x20: {  	s18 =	simm.s32 $0xA0;
	v18 =	vmov s17;
	v17 =	vshll.u32 v17, $0x1;
	v1 =	vor.u32 $0x1, v1;
	v3 =	vld.idx.msk [tilespmem:v3+s9+$0x0], $0xffff  }
0x21: {  	v19 =	vmov s18;
	v18 =	vshll.u32 v18, $0x1;
	v17 =	vor.u32 v0, v17;
	v4 =	vld.idx.msk [tilespmem:v4+s9+$0x0], $0xffff  }
0x22: {  	v19 =	vshll.u32 v19, $0x1;
	v18 =	vor.u32 v0, v18;
	v5 =	vld.idx.msk [tilespmem:v5+s9+$0x0], $0xffff  }
0x23: {  	v19 =	vor.u32 v0, v19;
	v6 =	vld.idx.msk [tilespmem:v6+s9+$0x0], $0xffff  }
0x24: {  	v7 =	vld.idx.msk [tilespmem:v7+s9+$0x0], $0xffff;
	v9 =	vor.u32 v9, v13  }
0x25: {  	v1 =	vld.idx.msk [tilespmem:v1+s9+$0x0], $0xffff;
	v2 =	vor.u32 v10, v2  }
0x26: {  	v10 =	vld.idx.msk [tilespmem:v17+s9+$0x0], $0xffff;
	v3 =	vor.u32 v11, v3  }
0x27: {  	v11 =	vld.idx.msk [tilespmem:v18+s9+$0x0], $0xffff;
	v4 =	vor.u32 v12, v4  }
0x28: {  	v12 =	vld.idx.msk [tilespmem:v19+s9+$0x0], $0xffff;
	v5 =	vor.u32 v14, v5  }
0x29: {  	v6 =	vor.u32 v15, v6;
	v9 =	vld.idx.msk [tilespmem:v9+s2+$0x0], $0xffff  }
0x2a: {  	v1 =	vor.u32 v8, v1;
	v14 =	vld.idx.msk [tilespmem:v2+s2+$0x0], $0xffff  }
0x2b: {  	s19 =	simm.s32 $0xB0;
	v18 =	vor.u32 $0x1, v18;
	v3 =	vld.idx.msk [tilespmem:v3+s2+$0x0], $0xffff  }
0x2c: {  	s20 =	simm.s32 $0xC0;
	v13 =	vmov s19;
	v19 =	vor.u32 $0x1, v19;
	v15 =	vld.idx.msk [tilespmem:v4+s2+$0x0], $0xffff  }
0x2d: {  	s21 =	simm.s32 $0xD0;
	v2 =	vor.u32 v16, v7;
	v7 =	vshll.u32 v13, $0x1;
	v13 =	vmov s20;
	v16 =	vld.idx.msk [tilespmem:v5+s2+$0x0], $0xffff  }
0x2e: {  	s22 =	simm.s32 $0xE0;
	v20 =	vld.idx.msk [tilespmem:v6+s2+$0x0], $0xffff;
	v7 =	vor.u32 v0, v7;
	v8 =	vshll.u32 v13, $0x1;
	v13 =	vmov s21  }
0x2f: {  	s23 =	simm.s32 $0xF0;
	v21 =	vld.idx.msk [tilespmem:v1+s2+$0x0], $0xffff;
	v4 =	vor.u32 v0, v8;
	v8 =	vshll.u32 v13, $0x1;
	v13 =	vmov s22  }
0x30: {  	v18 =	vld.idx.msk [tilespmem:v18+s9+$0x0], $0xffff;
	v5 =	vor.u32 v0, v8;
	v8 =	vshll.u32 v13, $0x1;
	v13 =	vmov s23  }
0x31: {  	v19 =	vld.idx.msk [tilespmem:v19+s9+$0x0], $0xffff;
	v6 =	vor.u32 v0, v8;
	v8 =	vshll.u32 v13, $0x1  }
0x32: {  	v13 =	vld.idx.msk [tilespmem:v2+s2+$0x0], $0xffff;
	v2 =	vor.u32 v0, v8  }
0x33: {  	v8 =	vld.idx.msk [tilespmem:v7+s9+$0x0], $0xffff;
	v1 =	vor.u32 $0x1, v2  }
0x34: {  	v17 =	vor.u32 $0x1, v17;
	v22 =	vld.idx.msk [tilespmem:v4+s9+$0x0], $0xffff  }
0x35: {  	v7 =	vor.u32 $0x1, v7;
	v23 =	vld.idx.msk [tilespmem:v5+s9+$0x0], $0xffff  }
0x36: {  	s25 =	simm.s32 $0x110;
	v4 =	vor.u32 $0x1, v4;
	v24 =	vld.idx.msk [tilespmem:v6+s9+$0x0], $0xffff  }
0x37: {  	s26 =	simm.s32 $0x120;
	v26 =	vor.u32 $0x1, v5;
	v5 =	vmov s25;
	v25 =	vld.idx.msk [tilespmem:v2+s9+$0x0], $0xffff  }
0x38: {  	v27 =	vor.u32 $0x1, v6;
	v5 =	vshll.u32 v5, $0x1;
	v6 =	vmov s26;
	v1 =	vld.idx.msk [tilespmem:v1+s9+$0x0], $0xffff  }
0x39: {  	v17 =	vld.idx.msk [tilespmem:v17+s9+$0x0], $0xffff;
	v5 =	vor.u32 v0, v5;
	v6 =	vshll.u32 v6, $0x1  }
0x3a: {  	v7 =	vld.idx.msk [tilespmem:v7+s9+$0x0], $0xffff;
	v6 =	vor.u32 v0, v6  }
0x3b: {  	s24 =	simm.s32 $0x100;
	v11 =	vor.u32 v11, v18;
	v28 =	vld.idx.msk [tilespmem:v4+s9+$0x0], $0xffff  }
0x3c: {  	v12 =	vor.u32 v12, v19;
	v26 =	vld.idx.msk [tilespmem:v26+s9+$0x0], $0xffff;
	v2 =	vmov s24  }
0x3d: {  	s14 =	simm.s32 $0x1C740;
	v27 =	vld.idx.msk [tilespmem:v27+s9+$0x0], $0xffff;
	v2 =	vshll.u32 v2, $0x1;
	v25 =	vor.u32 v25, v1  }
0x3e: {  	[tilespmem:s14+$0x30] =	vst v9;
	v2 =	vor.u32 v0, v2;
	v4 =	vld.idx.msk [tilespmem:v5+s9+$0x0], $0xffff  }
0x3f: {  	[tilespmem:s14+$0xFFFFFFE0] =	vst v3;
	v18 =	vor.u32 v8, v7;
	v3 =	vld.idx.msk [tilespmem:v6+s9+$0x0], $0xffff  }
0x40: {  	[tilespmem:s14+$0xFFFFFFD0] =	vst v14;
	v8 =	vld.idx.msk [tilespmem:v11+s2+$0x0], $0xffff;
	v19 =	vor.u32 v22, v28  }
0x41: {  	s28 =	simm.s32 $0x130;
	[tilespmem:s14+$0xFFFFFFF0] =	vst v15;
	v15 =	vor.u32 v23, v26;
	v11 =	vor.u32 v10, v17;
	v10 =	vld.idx.msk [tilespmem:v12+s2+$0x0], $0xffff  }
0x42: {  	s29 =	simm.s32 $0x140;
	[tilespmem:s14+$0x0] =	vst v16;
	v14 =	vmov s28;
	v9 =	vor.u32 v24, v27;
	v7 =	vld.idx.msk [tilespmem:v25+s2+$0x0], $0xffff  }
0x43: {  	s30 =	simm.s32 $0x150;
	[tilespmem:s14+$0x10] =	vst v20;
	v16 =	vmov s29;
	v14 =	vshll.u32 v14, $0x1;
	v1 =	vld.idx.msk [tilespmem:v2+s9+$0x0], $0xffff  }
0x44: {  	s31 =	simm.s32 $0x160;
	v14 =	vor.u32 v0, v14;
	[tilespmem:s14+$0x20] =	vst v13;
	v13 =	vshll.u32 v16, $0x1;
	v17 =	vmov s30;
	v12 =	vld.idx.msk [tilespmem:v18+s2+$0x0], $0xffff  }
0x45: {  	s16 =	simm.s32 $0x170;
	s15 =	simm.s32 $0x180;
	[tilespmem:s14+$0xFFFFFFC0] =	vst v21;
	v16 =	vor.u32 v0, v13;
	v17 =	vshll.u32 v17, $0x1;
	v18 =	vmov s31;
	v13 =	vld.idx.msk [tilespmem:v19+s2+$0x0], $0xffff  }
.LBB2_3:
0x46: {  	p0 =	slt.u32 s15, $0x1F80;
	v17 =	vor.u32 v0, v17;
	v18 =	vshll.u32 v18, $0x1;
	v19 =	vmov s16;
	v15 =	vld.idx.msk [tilespmem:v15+s2+$0x0], $0xffff;
	s14 =	sadd.s32 $0x80, s14  }
0x47: {  	v18 =	vor.u32 v0, v18;
	v19 =	vshll.u32 v19, $0x1;
	v9 =	vld.idx.msk [tilespmem:v9+s2+$0x0], $0xffff;
	[tilespmem:s14+$0x30] =	vst v7  }
0x48: {  	v7 =	vor.u32 v0, v19;
	v11 =	vld.idx.msk [tilespmem:v11+s2+$0x0], $0xffff;
	[tilespmem:s14+$0xFFFFFFD0] =	vst v8  }
0x49: {  	v8 =	vld.idx.msk [tilespmem:v14+s9+$0x0], $0xffff;
	v19 =	vor.u32 $0x1, v7;
	[tilespmem:s14+$0xFFFFFFE0] =	vst v10  }
0x4a: {  	v5 =	vor.u32 $0x1, v5;
	v10 =	vld.idx.msk [tilespmem:v16+s9+$0x0], $0xffff;
	[tilespmem:s14+$0xFFFFFFF0] =	vst v12  }
0x4b: {  	v6 =	vor.u32 $0x1, v6;
	v12 =	vld.idx.msk [tilespmem:v17+s9+$0x0], $0xffff;
	[tilespmem:s14+$0x0] =	vst v13  }
0x4c: {  	v13 =	vor.u32 $0x1, v14;
	v14 =	vld.idx.msk [tilespmem:v18+s9+$0x0], $0xffff;
	[tilespmem:s14+$0x10] =	vst v15  }
0x4d: {  	v15 =	vor.u32 $0x1, v16;
	v7 =	vld.idx.msk [tilespmem:v7+s9+$0x0], $0xffff;
	[tilespmem:s14+$0x20] =	vst v9  }
0x4e: {  	v9 =	vor.u32 $0x1, v17;
	v16 =	vld.idx.msk [tilespmem:v19+s9+$0x0], $0xffff;
	[tilespmem:s14+$0xFFFFFFC0] =	vst v11  }
0x4f: {  	s16 =	sadd.s32 $0x10, s15;
	v18 =	vor.u32 $0x1, v18;
	v11 =	vmov s15;
	v17 =	vld.idx.msk [tilespmem:v5+s9+$0x0], $0xffff  }
0x50: {  	v19 =	vor.u32 $0x1, v2;
	v5 =	vshll.u32 v11, $0x1;
	v11 =	vmov s16;
	s16 =	sadd.s32 $0x20, s15;
	v20 =	vld.idx.msk [tilespmem:v6+s9+$0x0], $0xffff  }
0x51: {  	v2 =	vor.u32 v0, v5;
	v5 =	vshll.u32 v11, $0x1;
	v6 =	vmov s16;
	v11 =	vld.idx.msk [tilespmem:v13+s9+$0x0], $0xffff  }
0x52: {  	v5 =	vor.u32 v0, v5;
	v6 =	vshll.u32 v6, $0x1;
	v13 =	vld.idx.msk [tilespmem:v15+s9+$0x0], $0xffff  }
0x53: {  	v6 =	vor.u32 v0, v6;
	v9 =	vld.idx.msk [tilespmem:v9+s9+$0x0], $0xffff  }
0x54: {  	v7 =	vor.u32 v7, v16;
	v18 =	vld.idx.msk [tilespmem:v18+s9+$0x0], $0xffff  }
0x55: {  	v17 =	vor.u32 v4, v17;
	v16 =	vld.idx.msk [tilespmem:v19+s9+$0x0], $0xffff  }
0x56: {  	v20 =	vor.u32 v3, v20;
	v19 =	vld.idx.msk [tilespmem:v2+s9+$0x0], $0xffff  }
0x57: {  	v21 =	vor.u32 v8, v11;
	v4 =	vld.idx.msk [tilespmem:v5+s9+$0x0], $0xffff  }
0x58: {  	v13 =	vor.u32 v10, v13;
	v3 =	vld.idx.msk [tilespmem:v6+s9+$0x0], $0xffff  }
.Ltmp0:
0x59: {  	s16 =	sadd.s32 $0x30, s15;
	v15 =	vor.u32 v12, v9;
	v7 =	vld.idx.msk [tilespmem:v7+s2+$0x0], $0xffff;
	(pc) =	sbr.rel @p0 .LBB2_3-.Ltmp0, $4  }
0x5a: {  	v10 =	vmov s16;
	s16 =	sadd.s32 $0x40, s15;
	v9 =	vor.u32 v14, v18;
	v8 =	vld.idx.msk [tilespmem:v17+s2+$0x0], $0xffff  }
0x5b: {  	v12 =	vshll.u32 v10, $0x1;
	v17 =	vmov s16;
	s16 =	sadd.s32 $0x50, s15;
	v11 =	vor.u32 v1, v16;
	v10 =	vld.idx.msk [tilespmem:v20+s2+$0x0], $0xffff  }
0x5c: {  	v14 =	vor.u32 v0, v12;
	v16 =	vshll.u32 v17, $0x1;
	v17 =	vmov s16;
	s16 =	sadd.s32 $0x60, s15;
	v1 =	vmovc v19;
	v12 =	vld.idx.msk [tilespmem:v21+s2+$0x0], $0xffff  }
0x5d: {  	v16 =	vor.u32 v0, v16;
	v17 =	vshll.u32 v17, $0x1;
	v18 =	vmov s16;
	s16 =	sadd.s32 $0x70, s15;
	s15 =	sadd.s32 $0x80, s15;
	v13 =	vld.idx.msk [tilespmem:v13+s2+$0x0], $0xffff  }
0x5e: {  	_ =	sdelay $0x1  }
0x5f: {  	v17 =	vor.u32 v0, v17  }
0x60: {  	v5 =	vor.u32 $0x1, v5  }
0x61: {  	v15 =	vld.idx.msk [tilespmem:v15+s2+$0x0], $0xffff;
	v6 =	vor.u32 $0x1, v6  }
0x62: {  	v20 =	vld.idx.msk [tilespmem:v14+s9+$0x0], $0xffff;
	v53 =	vor.u32 $0x1, v14  }
0x63: {  	v18 =	vshll.u32 v18, $0x1;
	v22 =	vld.idx.msk [tilespmem:v16+s9+$0x0], $0xffff;
	v54 =	vor.u32 $0x1, v16  }
0x64: {  	v19 =	vmov s16;
	v18 =	vor.u32 v0, v18;
	v23 =	vld.idx.msk [tilespmem:v17+s9+$0x0], $0xffff  }
0x65: {  	v2 =	vor.u32 $0x1, v2;
	v19 =	vshll.u32 v19, $0x1;
	v5 =	vld.idx.msk [tilespmem:v5+s9+$0x0], $0xffff  }
0x66: {  	v19 =	vor.u32 v0, v19;
	v6 =	vld.idx.msk [tilespmem:v6+s9+$0x0], $0xffff  }
0x67: {  	v21 =	vor.u32 $0x1, v19;
	v14 =	vld.idx.msk [tilespmem:v53+s9+$0x0], $0xffff  }
0x68: {  	v17 =	vor.u32 $0x1, v17;
	v16 =	vld.idx.msk [tilespmem:v54+s9+$0x0], $0xffff  }
0x69: {  	v24 =	vld.idx.msk [tilespmem:v18+s9+$0x0], $0xffff;
	v18 =	vor.u32 $0x1, v18  }
0x6a: {  	v2 =	vld.idx.msk [tilespmem:v2+s9+$0x0], $0xffff  }
0x6b: {  	v19 =	vld.idx.msk [tilespmem:v19+s9+$0x0], $0xffff  }
0x6c: {  	v21 =	vld.idx.msk [tilespmem:v21+s9+$0x0], $0xffff;
	v4 =	vor.u32 v4, v5  }
0x6d: {  	s14 =	sadd.s32 $0x80, s14;
	v17 =	vld.idx.msk [tilespmem:v17+s9+$0x0], $0xffff;
	v3 =	vor.u32 v3, v6  }
0x6e: {  	[tilespmem:s14+$0x30] =	vst v7;
	v57 =	vor.u32 v20, v14;
	v55 =	vld.idx.msk [tilespmem:v18+s9+$0x0], $0xffff  }
0x6f: {  	v56 =	vld.idx.msk [tilespmem:v9+s2+$0x0], $0xffff;
	[tilespmem:s14+$0xFFFFFFD0] =	vst v8;
	v59 =	vor.u32 v22, v16  }
0x70: {  	v58 =	vld.idx.msk [tilespmem:v11+s2+$0x0], $0xffff;
	[tilespmem:s14+$0xFFFFFFE0] =	vst v10;
	v1 =	vor.u32 v1, v2  }
0x71: {  	[tilespmem:s14+$0xFFFFFFF0] =	vst v12;
	v19 =	vor.u32 v19, v21;
	v4 =	vld.idx.msk [tilespmem:v4+s2+$0x0], $0xffff  }
0x72: {  	[tilespmem:s14+$0x0] =	vst v13;
	v60 =	vor.u32 v23, v17;
	v2 =	vld.idx.msk [tilespmem:v3+s2+$0x0], $0xffff  }
0x73: {  	[tilespmem:s14+$0x10] =	vst v15;
	v3 =	vld.idx.msk [tilespmem:v57+s2+$0x0], $0xffff;
	v5 =	vor.u32 v24, v55  }
0x74: {  	[tilespmem:s14+$0x20] =	vst v56;
	v62 =	vld.idx.msk [tilespmem:v59+s2+$0x0], $0xffff  }
0x75: {  	[tilespmem:s14+$0xFFFFFFC0] =	vst v58;
	s14 =	sadd.s32 $0x80, s14;
	v1 =	vld.idx.msk [tilespmem:v1+s2+$0x0], $0xffff  }
0x76: {  	v61 =	vld.idx.msk [tilespmem:v19+s2+$0x0], $0xffff;
	[tilespmem:s14+$0xFFFFFFD0] =	vst v4  }
0x77: {  	v63 =	vld.idx.msk [tilespmem:v60+s2+$0x0], $0xffff;
	[tilespmem:s14+$0xFFFFFFE0] =	vst v2  }
0x78: {  	[tilespmem:s14+$0xFFFFFFF0] =	vst v3;
	v5 =	vld.idx.msk [tilespmem:v5+s2+$0x0], $0xffff  }
0x79: {  	[tilespmem:s14+$0x0] =	vst v62  }
0x7a: {  	[tilespmem:s14+$0xFFFFFFC0] =	vst v1  }
0x7b: {  	s12 =	sadd.s32 $0x1, s12;
	[tilespmem:s14+$0x30] =	vst v61  }
0x7c: {  	s13 =	sshrl.u32 s13, $0x3;
	p0 =	sne.s32 s12, $0x40;
	[tilespmem:s14+$0x10] =	vst v63  }
.Ltmp1:
0x7d: {  	s13 =	sadd.s32 s5, s13;
	[tilespmem:s14+$0x20] =	vst v5;
	(pc) =	sbr.rel @p0 .LBB2_2-.Ltmp1, $4  }
0x7e: {  	[hbm4b:s13+s2] =	stream.linear.scatter [tilespmem:s10], [sflag:$0x1], $0x2000, $0x38;
	[tilespmem:$0x1E700] =	vst v63  }
0x7f: {  	_ =	swait.ge [sflag:s8], $0x2000  }
0x80: {  	[sflag:s8] =	ssyncset.done $0x0  }
0x81: {  	[sflag:s8] =	ssyncadd.s32 $0xFFFFE000  }
0x82: {  	s11 =	sadd.s32 $0x1, s11  }
0x83: {  	p0 =	sne.s32 s11, s7  }
.Ltmp2:
0x84: {  	_ = 	snop;
	(pc) =	sbr.rel @p0 .LBB2_1-.Ltmp2, $1  }
0x85: {  	_ =	sdelay $0x3  }
0x86: {  	_ =	sfence.sel $0x180000  }
0x87: {  	[bflag:$0x0] =	sbarrier.arrive $0xFFFF  }
0x88: {  	p0 =	sne.s32 s3, $0x0;
	_ =	strace $0x9000004A  }
0x89: {  	s0 =	sadd.s32 @!p0 $0x100000, s0;
	[bflag:$0x2] =	sbarrier.arrive $0xFFFF  }
0x8a: {  	[sflag:s0] =	ssyncadd.tile.s32 @!p0 $0x1;
	_ =	shalt  }
.Lfunc_end2:
_tile_overlayer_lowered:
.L_overlay_start_2:
0x8b: {  	(tag) =	ssettag $0x2  }
0x8c: {  	s0 =	rddreg [dreg:$0x0];
	s2 =	stileid.u32  }
0x8d: {  	s1 =	rddreg [dreg:$0x1];
	p0 =	sne.s32 s2, $0x0  }
0x8e: {  	s3 =	rddreg [dreg:$0x2];
	[bflag:$0x3] =	sbarrier.arrive $0xFFFF;
	s2 =	simm.s32 @!p0 $0x1C01  }
0x8f: {  	[timem:s3], [sflag:s2] =	dma.local @!p0 [hbm:s0], s1  }
0x90: {  	s0 =	simm.s32 @!p0 $0x1  }
0x91: {  	_ =	swait.ge @!p0 [sflag:s0], s1  }
0x92: {  	s1 =	ssub.s32 @!p0 $0x0, s1;
	[sflag:s0] =	ssyncset.done @!p0 $0x0  }
0x93: {  	[sflag:s0] =	ssyncadd.s32 @!p0 s1  }
0x94: {  	[bflag:$0x3] =	sbarrier.arrive $0xFFFF  }
0x95: {  	_ =	shalt  }

// kernel: sparse-core-data-format-call.cloned.1.call-start
scs
called_computation_lowered:
.L_overlay_start_0:
0x0: {  	s1 =	sld [smem:$0x3FD9]  }
0x1: {  	s2 =	sld [smem:$0x3FFE];
	_ =	sdelay $0x1  }
0x2: {  	s3 =	srdreg.scid  }
0x3: {  	s0 =	sand.u32 $0x1, s3  }
0x4: {  	s17 =	sshll.u32 s0, $0xA;
	s1 =	sadd.s32 s2, s1  }
0x5: {  	s1 =	sadd.s32 s1, s17  }
0x6: {  	[smem:$0x3FC6] =	sst s1  }
0x7: {  	_ = 	snop  }
0x8: {  	(tm) =	ssettm $0x1  }
0x9: {  	s18 =	sld [smem:$0x3FFB];
	_ =	sdelay $0x3  }
0xa: {  	_ =	strace s18  }
0xb: {  	s1 =	sld [smem:$0x3FFC];
	_ =	sdelay $0x3  }
0xc: {  	_ =	strace s1  }
0xd: {  	s1 =	sld [smem:$0x3FFD];
	_ =	sdelay $0x3  }
0xe: {  	_ =	strace s1  }
0xf: {  	_ =	strace $0x8FFFFFFF  }
0x10: {  	s19 =	sld [smem:$0x3FDB];
	_ =	sdelay $0x1  }
0x11: {  	s20 =	simm.s32 $_scs_section_size  }
0x12: {  	s4 =	simm.s32 $_size__tile_overlayer_lowered;
	s5 =	simm.s32 $_tile_overlayer_lowered  }
0x13: {  	s23 =	simm.s32 $0x1BFF;
	s22 =	sshll.u32 s5, $0x1;
	s1 =	sadd.s32 s20, s19  }
0x14: {  	s6 =	simm.s32 $0x0;
	s21 =	sshll.u32 s4, $0x1;
	s4 =	sadd.s32 s22, s1  }
0x15: {  	[timem:s6], [sflag:s23] =	dma.local [hbm:s4], s21  }
0x16: {  	_ =	swait.ge [sflag:s23], s21  }
0x17: {  	s2 =	ssub.s32 $0x0, s21;
	[sflag:s23] =	ssyncset.done $0x0  }
0x18: {  	[sflag:s23] =	ssyncadd.s32 s2;
	_ =	sdelay $0x1  }
0x19: {  	s24 =	simm.s32 $0x1B8B  }
0x1a: {  	_ =	swait.ge [sflag:s24], $0x1  }
0x1b: {  	[sflag:s24] =	ssyncset.done $0x0  }
0x1c: {  	s26 =	simm.s32 $0x1B8E;
	s25 =	sld [smem:$0x3FFE];
	[sflag:s24] =	ssyncadd.s32 $0xFFFFFFFF  }
0x1d: {  	s27 =	simm.s32 $execute0_lowered;
	[smem:$0x3FD2] =	sst s26  }
0x1e: {  	s4 =	sshll.u32 s27, $0x1;
	_ =	strace $0x80000046;
	[dreg:$0x1] =	wrdreg $0xFFFFFFFF  }
0x1f: {  	s28 =	simm.s32 $_size_execute0_lowered;
	s1 =	sadd.s32 s1, s4;
	[dreg:$0x0] =	wrdreg $0x0  }
0x20: {  	s4 =	sshll.u32 s28, $0x1;
	[dreg:$0x2] =	wrdreg s1  }
0x21: {  	[dreg:$0x3] =	wrdreg s4  }
0x22: {  	[dreg:$0x4] =	wrdreg $0xC0  }
0x23: {  	_ =	task [dreg:s6], $0x5FFFF  }
0x24: {  	[dreg:$0x1] =	wrdreg $0xFFFFFFFF  }
0x25: {  	[dreg:$0x0] =	wrdreg $0x60  }
0x26: {  	[dreg:$0x2] =	wrdreg s25  }
0x27: {  	[dreg:$0x3] =	wrdreg $0x9  }
0x28: {  	_ =	task.clear_ibuf [dreg:s6], $0x4FFFF;
	_ =	strace $0x90000046  }
0x29: {  	s29 =	simm.s32 $0x9;
	_ =	strace $0x80000048  }
0x2a: {  	_ =	swait.ge [sflag:s29], $0x1  }
0x2b: {  	[sflag:s29] =	ssyncadd.s32 $0xFFFFFFFF  }
0x2c: {  	_ =	strace $0x90000048  }
0x2d: {  	_ =	sfence  }
0x2e: {  	s30 =	sld [smem:$0x0];
	_ =	sdelay $0x2  }
0x2f: {  	s31 =	sshll.u32 s3, $0xD;
	s3 =	sshrl.u32 s3, $0x2  }
0x30: {  	s2 =	sand.u32 $0x4000, s31;
	s1 =	sadd.s32 s3, s30  }
0x31: {  	s0 =	sor.u32 s2, s0;
	s1 =	sshll.u32 s1, $0x11  }
0x32: {  	s0 =	sor.u32 s1, s0  }
0x33: {  	s0 =	sadd.s32 $0x8F2B, s0  }
0x34: {  	[sflag:s0] =	ssyncadd.remote.s32 $0x1  }
0x35: {  	_ =	sfence.sel $0xFFFF  }
0x36: {  	[dreg:$0x0] =	wrdreg $0xFFFFFFFF;
	(pc) =	sbr.abs _section_cstart, $3  }
0x37: {  	[dreg:$0x1] =	wrdreg $0xFFFFFFFF  }
0x38: {  	_ =	task.clear_ibuf [dreg:s6], $0x2FFFF;
	_ =	strace $0x9FFFFFFF  }
0x39: {  	(tm) =	ssettm $0x7FFFFFFF  }
tec
execute0_lowered:
.L_overlay_start_1:
0x0: {  	(tag) =	ssettag $0x1  }
0x1: {  	s0 =	srdreg.scid  }
0x2: {  	s29 =	stileid.u32;
	s1 =	sshll.u32 s0, $0x4  }
0x3: {  	s5 =	rddreg [dreg:$0x0];
	_ =	strace $0x80000047;
	s1 =	sand.u32 $0x10, s1  }
0x4: {  	s30 =	simm.s32 $0x1;
	s8 =	simm.s32 $0x2;
	s2 =	sor.u32 s29, s1  }
0x5: {  	s10 =	simm.s32 $0x0;
	s9 =	sadd.s32 $0x600A00, s5;
	s4 =	sshll.u32 s2, $0x3  }
0x6: {  	s11 =	simm.s32 $0x0;
	s31 =	sadd.s32 $0xA00A00, s5;
	s6 =	ssub.s32 $0x4000, s4  }
0x7: {  	[sflag:s30] =	ssyncpa.u1 $0x0;
	[dreg:$0x4] =	wrdreg s31;
	s7 =	sand.u32 $0xF8, s6  }
.Ltmp0:
0x8: {  	p0 =	sne.s32 s7, $0x0;
	s7 =	simm.s32 $0x1;
	(pc) =	sbr.rel .LBB1_1-.Ltmp0, $4  }
0x9: {  	[dreg:$0x3] =	wrdreg s9;
	s6 =	sshrl.u32 s6, $0x8;
	s7 =	simm.s32 @!p0 $0x0  }
0xa: {  	[sflag:s8] =	ssyncpa.u1 $0x0;
	[dreg:$0x2] =	wrdreg s4;
	s5 =	sadd.s32 s7, s6  }
0xb: {  	s8 =	simm.s32 $0x0;
	s6 =	sadd.s32 $0x1, s5;
	[dreg:$0x5] =	wrdreg s5  }
0xc: {  	s2 =	simm.s32 $0x0;
	s7 =	smov.u32 s4;
	[dreg:$0x6] =	wrdreg s6  }
.LBB1_9:
0xd: {  	s0 =	sadd.s32 $0x100, s7  }
0xe: {  	s2 =	sadd.s32 $0x2, s10;
	s3 =	smov.u32 s10;
	p1 =	sgt.s32 s0, $0x3FFF  }
0xf: {  	s3 =	smov.u32 @p1 s2  }
0x10: {  	s0 =	smov.u32 @p1 s4;
	p1 =	sgt.s32 s3, $0x1  }
0x11: {  	s3 =	simm.s32 @p1 $0x0;
	p1 =	sne.s32 s11, s6  }
.Ltmp1:
0x12: {  	p0 =	slt.u32 s11, $0x2;
	(pc) =	sbr.rel @!p1 .LBB1_10-.Ltmp1, $4  }
0x13: {  	s1 =	simm.s32 @!p0 $0x2  }
0x14: {  	s8 =	smov.u32 s10;
	_ =	swait.ge @!p0 [sflag:s1], $0x4000  }
0x15: {  	s2 =	smov.u32 s7;
	[sflag:s1] =	ssyncset.done @!p0 $0x0;
	s7 =	smov.u32 s0  }
0x16: {  	s11 =	sadd.s32 $0x1, s11;
	[sflag:s1] =	ssyncadd.s32 @!p0 $0xFFFFC000;
	s10 =	smov.u32 s3  }
.LBB1_1:
0x17: {  	p0 =	sge.u32 s11, s5  }
0x18: {  	s31 =	sadd.s32 $0xFFFFFFFF, s11;
	s14 =	sxor.u32 @!p0 $0xFFFFFFFF, s11  }
0x19: {  	s15 =	sshll.u32 @!p0 s10, $0x15;
	s16 =	sshll.u32 @!p0 s7, $0x7;
	s17 =	sshll.u32 @!p0 s7, $0x4  }
0x1a: {  	s14 =	sshll.u32 @!p0 s14, $0xE;
	s16 =	sand.u32 @!p0 $0x1FFC00, s16;
	s15 =	sadd.s32 @!p0 s9, s15  }
0x1b: {  	s17 =	sand.u32 @!p0 $0x70, s17;
	s14 =	sand.u32 @!p0 $0x4000, s14;
	s15 =	sadd.s32 @!p0 s16, s15  }
0x1c: {  	s16 =	simm.s32 @!p0 $0x2000;
	s15 =	sadd.s32 @!p0 s17, s15;
	s17 =	simm.s32 @!p0 $0x1000000  }
0x1d: {  	[tilespmem:s14], [sflag:$0x1] =	stream.strided.gather @!p0 [hbm4b:s15+s16], $0x4000, s17, s16, $0x38;
	[tilespmem:$0x10000] =	vst v63  }
0x1e: {  	p0 =	sge.u32 s31, s5  }
.Ltmp2:
0x1f: {  	_ = 	snop;
	(pc) =	sbr.rel @p0 .LBB1_9-.Ltmp2, $1  }
0x20: {  	_ =	sdelay $0x3  }
0x21: {  	[dreg:$0x9] =	wrdreg s8  }
0x22: {  	[dreg:$0x8] =	wrdreg s2  }
0x23: {  	[dreg:$0x7] =	wrdreg s7;
	s0 =	simm.s32 $0x1  }
0x24: {  	s14 =	sshll.u32 s11, $0xE;
	_ =	swait.ge [sflag:s0], $0x4000  }
0x25: {  	s16 =	simm.s32 $0x0;
	s15 =	sand.u32 $0x4000, s14;
	[sflag:s0] =	ssyncset.done $0x0  }
0x26: {  	p1 =	por $0x1, $0x1;
	s14 =	sor.u32 $0x8000, s15;
	[sflag:s0] =	ssyncadd.s32 $0xFFFFC000  }
.LBB1_3:
0x27: {  	s18 =	sshll.u32 s16, $0xD  }
0x28: {  	p0 =	por p1, p1;
	s17 =	sadd.s32 s18, s15;
	v0 =	vmov s18;
	s18 =	simm.s32 $0x0  }
.LBB1_4:
0x29: {  	s19 =	sshll.u32 s18, $0xB  }
0x2a: {  	s20 =	sshll.u32 s18, $0x7;
	s19 =	sand.u32 $0x3FFFF800, s19  }
0x2b: {  	s23 =	simm.s32 $0x0;
	s22 =	sadd.s32 s20, s17;
	s19 =	sadd.s32 s19, s14  }
0x2c: {  	p1 =	por $0x1, $0x1;
	s20 =	sadd.s32 s20, s15;
	v1 =	vmov s22;
	s21 =	sadd.s32 s16, s19  }
.LBB1_5:
0x2d: {  	s22 =	sshll.u32 s23, $0x3  }
0x2e: {  	s25 =	sor.u32 $0x80, s23;
	s24 =	sshrl.u32 s22, $0x2  }
0x2f: {  	s28 =	sand.u32 $0x3FFFFFF8, s22;
	s26 =	sshll.u32 s25, $0x3;
	s25 =	sshll.u32 s25, $0x1  }
0x30: {  	s27 =	sor.u32 $0x480, s22;
	s7 =	sor.u32 $0x500, s22;
	s30 =	sor.u32 $0x580, s22  }
0x31: {  	s13 =	sor.u32 $0x600, s22;
	s2 =	sor.u32 $0x680, s22;
	s24 =	sadd.s32 s24, s19  }
0x32: {  	s1 =	sand.u32 $0x3FFFFFF8, s26;
	s0 =	sadd.s32 s28, s20;
	s25 =	sand.u32 $0x3FFFFFFE, s25  }
0x33: {  	s6 =	sand.u32 $0x1400, s27;
	s27 =	sshrl.u32 s27, $0x2;
	s29 =	sand.u32 $0x1400, s7  }
0x34: {  	s9 =	sand.u32 $0x1400, s30;
	s12 =	sshrl.u32 s30, $0x2;
	s31 =	sand.u32 $0x1400, s13  }
0x35: {  	s30 =	sshrl.u32 s13, $0x2;
	s13 =	sor.u32 $0x100, s23;
	s24 =	sadd.s32 s16, s24  }
0x36: {  	v2 =	vld.idx.msk [tilespmem:v1+s28+$0x0 ss:$0x1], $0xffff;
	s26 =	sadd.s32 s25, s21;
	s8 =	sadd.s32 s6, s20;
	s25 =	sadd.s32 s27, s21  }
0x37: {  	s27 =	sshrl.u32 s7, $0x2;
	s5 =	sadd.s32 s29, s20;
	s4 =	sadd.s32 s9, s20;
	v3 =	vld.idx.msk [tilespmem:v0+s0+$0x10 ss:$0x1], $0xffff  }
0x38: {  	s28 =	sadd.s32 s12, s21;
	s3 =	sadd.s32 s31, s20;
	s29 =	sadd.s32 s30, s21;
	v4 =	vld.idx.msk [tilespmem:v0+s0+$0x20 ss:$0x1], $0xffff  }
0x39: {  	s31 =	sand.u32 $0x1400, s2;
	s30 =	sshrl.u32 s2, $0x2;
	s7 =	sor.u32 $0x700, s22;
	v5 =	vld.idx.msk [tilespmem:v0+s0+$0x30 ss:$0x1], $0xffff  }
0x3a: {  	v6 =	vld.idx.msk [tilespmem:v0+s0+$0x40 ss:$0x1], $0xffff;
	s12 =	sor.u32 $0x780, s22;
	s27 =	sadd.s32 s27, s21;
	s2 =	sadd.s32 s31, s20  }
0x3b: {  	v49 =	vld.idx.msk [tilespmem:v0+s0+$0x70 ss:$0x1], $0xffff;
	s6 =	sand.u32 $0x1400, s7;
	s7 =	sshrl.u32 s7, $0x2;
	s9 =	sand.u32 $0x1400, s12;
	[tilespmem:s24+$0x0 ss:$0x2] =	vst.msk $0xffff, v2  }
0x3c: {  	s31 =	sadd.s32 s7, s21;
	s7 =	sadd.s32 s9, s20;
	s9 =	sshll.u32 s13, $0x1;
	v2 =	vld.idx.msk [tilespmem:v0+s0+$0x50 ss:$0x1], $0xffff;
	[tilespmem:s24+$0x20 ss:$0x2] =	vst.msk $0xffff, v3  }
0x3d: {  	s30 =	sadd.s32 s30, s21;
	s13 =	sshll.u32 s13, $0x3;
	s9 =	sand.u32 $0x3FFFFFFE, s9;
	v3 =	vld.idx.msk [tilespmem:v0+s0+$0x60 ss:$0x1], $0xffff;
	[tilespmem:s24+$0x40 ss:$0x2] =	vst.msk $0xffff, v4  }
0x3e: {  	v50 =	vld.idx.msk [tilespmem:v1+s1+$0x0 ss:$0x1], $0xffff;
	s12 =	sshrl.u32 s12, $0x2;
	s1 =	sand.u32 $0x3FFFFFF8, s13;
	s13 =	sor.u32 $0x880, s22;
	[tilespmem:s24+$0x60 ss:$0x2] =	vst.msk $0xffff, v5  }
0x3f: {  	v51 =	vld.idx.msk [tilespmem:v0+s8+$0x10 ss:$0x1], $0xffff;
	s6 =	sadd.s32 s6, s20;
	s9 =	sadd.s32 s9, s21;
	s8 =	sand.u32 $0x1800, s13;
	[tilespmem:s24+$0x80 ss:$0x2] =	vst.msk $0xffff, v6  }
0x40: {  	v53 =	vld.idx.msk [tilespmem:v0+s2+$0x50 ss:$0x1], $0xffff;
	s0 =	sadd.s32 s12, s21;
	s12 =	sshrl.u32 s13, $0x2;
	s13 =	sor.u32 $0x900, s22;
	[tilespmem:s24+$0xE0 ss:$0x2] =	vst.msk $0xffff, v49  }
0x41: {  	[tilespmem:s24+$0xA0 ss:$0x2] =	vst.msk $0xffff, v2;
	v2 =	vld.idx.msk [tilespmem:v0+s5+$0x20 ss:$0x1], $0xffff;
	s5 =	sadd.s32 s8, s20;
	s8 =	sadd.s32 s12, s21;
	s12 =	sand.u32 $0x1800, s13  }
0x42: {  	[tilespmem:s24+$0xC0 ss:$0x2] =	vst.msk $0xffff, v3;
	v3 =	vld.idx.msk [tilespmem:v0+s4+$0x30 ss:$0x1], $0xffff;
	s4 =	sadd.s32 s12, s20;
	s12 =	sshrl.u32 s13, $0x2;
	s13 =	sor.u32 $0x980, s22  }
0x43: {  	v52 =	vld.idx.msk [tilespmem:v0+s3+$0x40 ss:$0x1], $0xffff;
	[tilespmem:s26+$0x0 ss:$0x2] =	vst.msk $0xffff, v50;
	s26 =	sor.u32 $0xA80, s22;
	s3 =	sadd.s32 s12, s21;
	s24 =	sand.u32 $0x1800, s13  }
0x44: {  	v54 =	vld.idx.msk [tilespmem:v0+s6+$0x60 ss:$0x1], $0xffff;
	[tilespmem:s25+$0x0 ss:$0x2] =	vst.msk $0xffff, v51;
	s13 =	sshrl.u32 s13, $0x2;
	s2 =	sadd.s32 s24, s20;
	s24 =	sor.u32 $0xA00, s22  }
0x45: {  	[tilespmem:s30+$0x0 ss:$0x2] =	vst.msk $0xffff, v53;
	v55 =	vld.idx.msk [tilespmem:v0+s5+$0x10 ss:$0x1], $0xffff;
	s12 =	sadd.s32 s13, s21;
	s25 =	sand.u32 $0x1800, s24;
	s13 =	sshrl.u32 s24, $0x2  }
0x46: {  	s30 =	sor.u32 $0x180, s23;
	[tilespmem:s27+$0x0 ss:$0x2] =	vst.msk $0xffff, v2;
	v2 =	vld.idx.msk [tilespmem:v0+s7+$0x70 ss:$0x1], $0xffff;
	s6 =	sadd.s32 s25, s20;
	s7 =	sadd.s32 s13, s21  }
0x47: {  	s27 =	sand.u32 $0x1800, s26;
	s25 =	sshrl.u32 s26, $0x2;
	s26 =	sor.u32 $0xB00, s22;
	[tilespmem:s28+$0x0 ss:$0x2] =	vst.msk $0xffff, v3;
	v3 =	vld.idx.msk [tilespmem:v1+s1+$0x0 ss:$0x1], $0xffff  }
0x48: {  	[tilespmem:s29+$0x0 ss:$0x2] =	vst.msk $0xffff, v52;
	s1 =	sadd.s32 s27, s20;
	s5 =	sadd.s32 s25, s21;
	s27 =	sand.u32 $0x1800, s26  }
0x49: {  	[tilespmem:s31+$0x0 ss:$0x2] =	vst.msk $0xffff, v54;
	v56 =	vld.idx.msk [tilespmem:v0+s4+$0x20 ss:$0x1], $0xffff;
	s24 =	sshrl.u32 s26, $0x2;
	s28 =	sor.u32 $0xB80, s22;
	s25 =	sshll.u32 s30, $0x1  }
0x4a: {  	v57 =	vld.idx.msk [tilespmem:v0+s2+$0x30 ss:$0x1], $0xffff;
	s26 =	sshll.u32 s30, $0x3;
	[tilespmem:s8+$0x0 ss:$0x2] =	vst.msk $0xffff, v55;
	s8 =	sor.u32 $0xD80, s22;
	s4 =	sadd.s32 s27, s20  }
0x4b: {  	s13 =	sadd.s32 s24, s21;
	s29 =	sand.u32 $0x1800, s28;
	s24 =	sshrl.u32 s28, $0x2;
	[tilespmem:s0+$0x0 ss:$0x2] =	vst.msk $0xffff, v2;
	v2 =	vld.idx.msk [tilespmem:v0+s6+$0x40 ss:$0x1], $0xffff  }
0x4c: {  	s27 =	sor.u32 $0xC80, s22;
	s23 =	sand.u32 $0x1C00, s8;
	s31 =	sadd.s32 s29, s20;
	[tilespmem:s9+$0x0 ss:$0x2] =	vst.msk $0xffff, v3;
	v3 =	vld.idx.msk [tilespmem:v0+s1+$0x50 ss:$0x1], $0xffff  }
0x4d: {  	s2 =	sadd.s32 s24, s21;
	v58 =	vld.idx.msk [tilespmem:v0+s4+$0x60 ss:$0x1], $0xffff;
	s28 =	sand.u32 $0x1C00, s27;
	s30 =	sshrl.u32 s27, $0x2  }
0x4e: {  	[tilespmem:s3+$0x0 ss:$0x2] =	vst.msk $0xffff, v56;
	s24 =	sadd.s32 s23, s20;
	v59 =	vld.idx.msk [tilespmem:v0+s31+$0x70 ss:$0x1], $0xffff;
	s31 =	sor.u32 $0xD00, s22;
	s1 =	sand.u32 $0x3FFFFFF8, s26  }
0x4f: {  	s29 =	sadd.s32 s28, s20;
	[tilespmem:s12+$0x0 ss:$0x2] =	vst.msk $0xffff, v57;
	s6 =	sand.u32 $0x3FFFFFFE, s25;
	s9 =	sand.u32 $0x1C00, s31;
	v60 =	vld.idx.msk [tilespmem:v1+s1+$0x0 ss:$0x1], $0xffff  }
0x50: {  	s4 =	sadd.s32 s6, s21;
	s12 =	sadd.s32 s9, s20;
	[tilespmem:s7+$0x0 ss:$0x2] =	vst.msk $0xffff, v2;
	v2 =	vld.idx.msk [tilespmem:v0+s29+$0x10 ss:$0x1], $0xffff;
	s7 =	sor.u32 $0xE00, s22  }
0x51: {  	s1 =	sadd.s32 s30, s21;
	[tilespmem:s5+$0x0 ss:$0x2] =	vst.msk $0xffff, v3;
	v3 =	vld.idx.msk [tilespmem:v0+s12+$0x20 ss:$0x1], $0xffff;
	s25 =	sand.u32 $0x1C00, s7;
	s5 =	sor.u32 $0xE80, s22  }
0x52: {  	v61 =	vld.idx.msk [tilespmem:v0+s24+$0x30 ss:$0x1], $0xffff;
	s9 =	sor.u32 $0xF00, s22;
	[tilespmem:s13+$0x0 ss:$0x2] =	vst.msk $0xffff, v58;
	s26 =	sadd.s32 s25, s20;
	s27 =	sand.u32 $0x1C00, s5  }
0x53: {  	s30 =	sor.u32 $0xF80, s22;
	[tilespmem:s2+$0x0 ss:$0x2] =	vst.msk $0xffff, v59;
	s29 =	sand.u32 $0x1C00, s9;
	v62 =	vld.idx.msk [tilespmem:v0+s26+$0x40 ss:$0x1], $0xffff;
	s28 =	sadd.s32 s27, s20  }
0x54: {  	s31 =	sshrl.u32 s31, $0x2;
	s6 =	sadd.s32 s29, s20;
	s12 =	sand.u32 $0x1C00, s30;
	[tilespmem:s4+$0x0 ss:$0x2] =	vst.msk $0xffff, v60;
	v63 =	vld.idx.msk [tilespmem:v0+s28+$0x50 ss:$0x1], $0xffff  }
0x55: {  	s13 =	sadd.s32 s31, s21;
	s22 =	sshrl.u32 s8, $0x2;
	s2 =	sadd.s32 s12, s20;
	[tilespmem:s1+$0x0 ss:$0x2] =	vst.msk $0xffff, v2;
	v2 =	vld.idx.msk [tilespmem:v0+s6+$0x60 ss:$0x1], $0xffff  }
0x56: {  	p2 =	por p1, p1;
	s24 =	sshrl.u32 s7, $0x2;
	s23 =	sadd.s32 s22, s21;
	[tilespmem:s13+$0x0 ss:$0x2] =	vst.msk $0xffff, v3;
	v3 =	vld.idx.msk [tilespmem:v0+s2+$0x70 ss:$0x1], $0xffff  }
.Ltmp3:
0x57: {  	s25 =	sadd.s32 s24, s21;
	[tilespmem:s23+$0x0 ss:$0x2] =	vst.msk $0xffff, v61;
	s26 =	sshrl.u32 s5, $0x2;
	(pc) =	sbr.rel @p2 .LBB1_5-.Ltmp3, $4  }
0x58: {  	s27 =	sadd.s32 s26, s21;
	s28 =	sshrl.u32 s9, $0x2;
	[tilespmem:s25+$0x0 ss:$0x2] =	vst.msk $0xffff, v62  }
0x59: {  	s30 =	sshrl.u32 s30, $0x2;
	s29 =	sadd.s32 s28, s21;
	[tilespmem:s27+$0x0 ss:$0x2] =	vst.msk $0xffff, v63  }
0x5a: {  	s31 =	sadd.s32 s30, s21;
	[tilespmem:s29+$0x0 ss:$0x2] =	vst.msk $0xffff, v2  }
0x5b: {  	p1 =	por $0x0, $0x0;
	s23 =	simm.s32 $0x200;
	[tilespmem:s31+$0x0 ss:$0x2] =	vst.msk $0xffff, v3  }
0x5c: {  	s18 =	sadd.s32 $0x1, s18  }
0x5d: {  	p1 =	sne.s32 s18, $0x8  }
.Ltmp4:
0x5e: {  	_ = 	snop;
	(pc) =	sbr.rel @p1 .LBB1_4-.Ltmp4, $1  }
0x5f: {  	_ =	sdelay $0x3  }
.Ltmp5:
0x60: {  	(pc) =	sbr.rel @p0 .LBB1_3-.Ltmp5, $2  }
0x61: {  	_ =	sdelay $0x2  }
0x62: {  	s16 =	simm.s32 $0x1;
	p1 =	por $0x0, $0x0  }
0x63: {  	s4 =	rddreg [dreg:$0x9]  }
0x64: {  	s1 =	rddreg [dreg:$0x8]  }
0x65: {  	s3 =	rddreg [dreg:$0x4]  }
0x66: {  	s9 =	rddreg [dreg:$0x3]  }
0x67: {  	s5 =	rddreg [dreg:$0x5]  }
0x68: {  	s6 =	rddreg [dreg:$0x6]  }
0x69: {  	s31 =	simm.s32 $0x80;
	s7 =	rddreg [dreg:$0x7]  }
.Ltmp6:
0x6a: {  	s0 =	sand.u32 $0x3F80, s4;
	s1 =	sshll.u32 s1, $0xE;
	(pc) =	sbr.rel .LBB1_9-.Ltmp6, $4  }
0x6b: {  	s2 =	sshrl.u32 s4, $0x3;
	s29 =	sand.u32 $0x7, s4;
	s0 =	sadd.s32 s3, s0  }
0x6c: {  	s2 =	sand.u32 $0xF, s2;
	s30 =	sshll.u32 s29, $0x12;
	s0 =	sadd.s32 s1, s0  }
0x6d: {  	s4 =	rddreg [dreg:$0x2];
	s1 =	sor.u32 $0x2, s30;
	s0 =	sadd.s32 s2, s0  }
0x6e: {  	[hbm4b:s0+s1] =	stream.strided.scatter [tilespmem:s14], [sflag:$0x2], $0x4000, s31, s1, $0x38;
	[tilespmem:$0x10000] =	vst v63  }
.LBB1_10:
0x6f: {  	_ =	sfence.sel $0x180000  }
0x70: {  	s0 =	simm.s32 $0x1;
	[bflag:$0x0] =	sbarrier.arrive $0xFFFF  }
0x71: {  	s30 =	simm.s32 $0x2;
	[sflag:s0] =	ssyncpa.u1 $0x1  }
0x72: {  	[sflag:s30] =	ssyncpa.u1 $0x1  }
0x73: {  	_ =	strace $0x90000047  }
0x74: {  	s31 =	stileid.u32;
	[bflag:$0x2] =	sbarrier.arrive $0xFFFF  }
0x75: {  	p0 =	sne.s32 s31, $0x0;
	s0 =	rddreg [dreg:$0x1]  }
0x76: {  	s0 =	sadd.s32 @!p0 $0x100000, s0  }
0x77: {  	[sflag:s0] =	ssyncadd.tile.s32 @!p0 $0x1;
	_ =	shalt  }
.Lfunc_end1:
_tile_overlayer_lowered:
.L_overlay_start_2:
0x78: {  	(tag) =	ssettag $0x2  }
0x79: {  	s0 =	rddreg [dreg:$0x0];
	s2 =	stileid.u32  }
0x7a: {  	s1 =	rddreg [dreg:$0x1];
	p0 =	sne.s32 s2, $0x0  }
0x7b: {  	s3 =	rddreg [dreg:$0x2];
	[bflag:$0x3] =	sbarrier.arrive $0xFFFF;
	s2 =	simm.s32 @!p0 $0x1C01  }
0x7c: {  	[timem:s3], [sflag:s2] =	dma.local @!p0 [hbm:s0], s1  }
0x7d: {  	s0 =	simm.s32 @!p0 $0x1  }
0x7e: {  	_ =	swait.ge @!p0 [sflag:s0], s1  }
0x7f: {  	s1 =	ssub.s32 @!p0 $0x0, s1;
	[sflag:s0] =	ssyncset.done @!p0 $0x0  }
0x80: {  	[sflag:s0] =	ssyncadd.s32 @!p0 s1  }
0x81: {  	[bflag:$0x3] =	sbarrier.arrive $0xFFFF  }
0x82: {  	_ =	shalt  }

</sc_bundles>
